<compile_context>
chip_gen: v7x
topology: tpu7x:2x2x1
jax: 0.10.2.dev20260603
libtpu: 0.0.44.dev20260713+nightly
codegen_flags: <defaults>
</compile_context>

<pallas_src>
import jax
import jax.numpy as jnp
import numpy as np
from jax.experimental import pallas as pl

_P = 0.5
_LOG_E = 1.5
_N = 8192
_F = 1024
_BLK = 1024
_NBLK = _N // _BLK


def _mean_body(x_ref, m_ref):
    m_ref[...] = jnp.mean(x_ref[...], axis=1, keepdims=True)


def _rank_apply_body(vc_ref, vr_ref, k0_ref, x_ref, o_ref):
    i = pl.program_id(0)
    vc = vc_ref[...]
    vr = vr_ref[...]
    r_glob = i * _BLK + jax.lax.broadcasted_iota(jnp.int32, (_BLK, 1), 0)
    cnt = jnp.zeros((_BLK, 1), jnp.float32)
    for sb in range(_NBLK):
        chunk = vr[:, sb * _BLK:(sb + 1) * _BLK]
        s_glob = sb * _BLK + jax.lax.broadcasted_iota(jnp.int32, (1, _BLK), 1)
        lt = chunk < vc
        eq = chunk == vc
        idx_lt = s_glob < r_glob
        lex = jnp.logical_or(lt, jnp.logical_and(eq, idx_lt))
        cnt = cnt + jnp.sum(lex.astype(jnp.float32), axis=1, keepdims=True)
    keep = (cnt < k0_ref[...]).astype(jnp.float32)
    o_ref[...] = x_ref[...] * keep


def kernel(input_data):
    b, n, f = input_data.shape
    x = input_data.reshape(-1, f)
    N = x.shape[0]

    interp = (_P - 0.0) / _LOG_E * jnp.log10(
        jnp.linspace(0.0, np.power(10.0, _LOG_E) - 1.0, N) + 1.0) + 0.0
    interp = interp.astype(jnp.float32)
    sampler = jax.random.uniform(jax.random.key(42), (N, 1), dtype=jnp.float32)
    k0 = jnp.searchsorted(interp, sampler[:, 0], side="right")
    k0f = k0.astype(jnp.float32).reshape(N, 1)

    means = pl.pallas_call(
        _mean_body,
        grid=(_NBLK,),
        in_specs=[pl.BlockSpec((_BLK, _F), lambda i: (i, 0))],
        out_specs=pl.BlockSpec((_BLK, 1), lambda i: (i, 0)),
        out_shape=jax.ShapeDtypeStruct((N, 1), jnp.float32),
    )(x)

    v = jax.nn.sigmoid(means)
    vr = v.reshape(1, N)

    out = pl.pallas_call(
        _rank_apply_body,
        grid=(_NBLK,),
        in_specs=[
            pl.BlockSpec((_BLK, 1), lambda i: (i, 0)),
            pl.BlockSpec((1, N), lambda i: (0, 0)),
            pl.BlockSpec((_BLK, 1), lambda i: (i, 0)),
            pl.BlockSpec((_BLK, _F), lambda i: (i, 0)),
        ],
        out_specs=pl.BlockSpec((_BLK, _F), lambda i: (i, 0)),
        out_shape=jax.ShapeDtypeStruct((N, _F), jnp.float32),
    )(v, vr, k0f, x)

    return out.reshape(b, n, f)

# --- scband reference (transcript-rebuilt; emitter-appended) ---
"""Pipeline reference for scband-pdropout-24275155157155 (READ-ONLY COPY).

The authoritative reference and input builder live on the scoring server;
editing this copy changes nothing except your own understanding.
"""

import jax, jax.numpy as jnp
import numpy as np

P = 0.5

def setup_inputs(seed: int = 0) -> dict:
    key = jax.random.key(seed)
    x = jax.random.normal(key, (4, 2048, 1024), dtype=jnp.float32)
    return {"input_data": x}

def reference(input_data):
    b, n, f = input_data.shape
    flat = input_data.reshape(-1, f)
    N = flat.shape[0]
    # importances
    importances = jnp.mean(flat, axis=1, keepdims=True)
    importances = jax.nn.sigmoid(importances)
    # non_linear_interpolation(p, 0, N)
    log_e = 1.5
    interp = (P - 0.0) / log_e * jnp.log10(jnp.linspace(0.0, np.power(10.0, log_e) - 1.0, N) + 1.0) + 0.0
    interp = interp.astype(jnp.float32).reshape(-1, 1)
    # generate_mask
    idx = jnp.argsort(importances[:, 0], axis=0)
    mask = jnp.zeros_like(importances)
    mask = mask.at[idx].add(interp)
    sampler = jax.random.uniform(jax.random.key(42), (N, 1), dtype=jnp.float32)
    mask = (sampler < mask).astype(jnp.float32)
    mask = 1.0 - mask
    out = flat * mask
    return out.reshape(b, n, f)

if __name__ == "__main__":
    import jax
    _d = setup_inputs()
    print(jax.jit(kernel)(*tuple(_d.values())))

</pallas_src>

<mosaic_0001>
module attributes {stable_mosaic.version = 14 : i64} {
  func.func @_rank_apply_body(%arg0: i32, %arg1: memref<1024x1xf32, #tpu.memory_space<vmem>>, %arg2: memref<1x8192xf32, #tpu.memory_space<vmem>>, %arg3: memref<1024x1xf32, #tpu.memory_space<vmem>>, %arg4: memref<1024x1024xf32, #tpu.memory_space<vmem>>, %arg5: memref<1024x1024xf32, #tpu.memory_space<vmem>>) attributes {dimension_semantics = [#tpu.dimension_semantics<arbitrary>], iteration_bounds = array<i64: 8>, scalar_prefetch = 0 : i64, scratch_operands = 0 : i64, tpu.core_type = #tpu.core_type<tc>, window_params = [{transform_indices = @transform_0, window_bounds = array<i64: 1024, 1>}, {pipeline_mode = #tpu.pipeline_mode<synchronous>, transform_indices = @transform_1, window_bounds = array<i64: 1, 8192>}, {transform_indices = @transform_2, window_bounds = array<i64: 1024, 1>}, {transform_indices = @transform_3, window_bounds = array<i64: 1024, 1024>}, {transform_indices = @transform_4, window_bounds = array<i64: 1024, 1024>}]} {
    %get3A = arith.constant 0 : index
    %get3A_0 = arith.constant 0 : index
    %get3A_1 = vector.load %arg1[%get3A, %get3A_0] : memref<1024x1xf32, #tpu.memory_space<vmem>>, vector<1024x1xf32>
    %get3A_2 = arith.constant 0 : index
    %get3A_3 = arith.constant 0 : index
    %get3A_4 = vector.load %arg2[%get3A_2, %get3A_3] : memref<1x8192xf32, #tpu.memory_space<vmem>>, vector<1x8192xf32>
    %mul3A = arith.constant 1024 : i32
    %mul3A_5 = arith.muli %arg0, %mul3A : i32
    %iota3A = tpu.iota {dimensions = array<i32: 0>} : vector<1024x1xi32>
    %add3A = vector.broadcast %mul3A_5 : i32 to vector<1024x1xi32>
    %add3A_6 = arith.addi %add3A, %iota3A : vector<1024x1xi32>
    %broadcast_in_dim3A = arith.constant 0.000000e+00 : f32
    %broadcast_in_dim3A_7 = vector.broadcast %broadcast_in_dim3A : f32 to vector<1024x1xf32>
    %slice3A = vector.extract_strided_slice %get3A_4 {offsets = [0, 0], sizes = [1, 1024], strides = [1, 1]} : vector<1x8192xf32> to vector<1x1024xf32>
    %iota3A_8 = tpu.iota {dimensions = array<i32: 1>} : vector<1x1024xi32>
    %add3A_9 = arith.constant 0 : i32
    %add3A_10 = vector.broadcast %add3A_9 : i32 to vector<1x1024xi32>
    %add3A_11 = arith.addi %add3A_10, %iota3A_8 : vector<1x1024xi32>
    %lt3A = vector.broadcast %slice3A : vector<1x1024xf32> to vector<1024x1024xf32>
    %lt3A_12 = vector.broadcast %get3A_1 : vector<1024x1xf32> to vector<1024x1024xf32>
    %lt3A_13 = arith.cmpf olt, %lt3A, %lt3A_12 : vector<1024x1024xf32>
    %eq3A = vector.broadcast %slice3A : vector<1x1024xf32> to vector<1024x1024xf32>
    %eq3A_14 = vector.broadcast %get3A_1 : vector<1024x1xf32> to vector<1024x1024xf32>
    %eq3A_15 = arith.cmpf oeq, %eq3A, %eq3A_14 : vector<1024x1024xf32>
    %lt3A_16 = vector.broadcast %add3A_11 : vector<1x1024xi32> to vector<1024x1024xi32>
    %lt3A_17 = vector.broadcast %add3A_6 : vector<1024x1xi32> to vector<1024x1024xi32>
    %lt3A_18 = arith.cmpi slt, %lt3A_16, %lt3A_17 : vector<1024x1024xi32>
    %and3A = arith.andi %eq3A_15, %lt3A_18 : vector<1024x1024xi1>
    %or3A = arith.ori %lt3A_13, %and3A : vector<1024x1024xi1>
    %convert_element_type3A = arith.extui %or3A : vector<1024x1024xi1> to vector<1024x1024xi32>
    %convert_element_type3A_19 = arith.sitofp %convert_element_type3A : vector<1024x1024xi32> to vector<1024x1024xf32>
    %reduce_sum3A = arith.constant dense<0.000000e+00> : vector<1024xf32>
    %reduce_sum3A_20 = vector.multi_reduction <add>, %convert_element_type3A_19, %reduce_sum3A [1] : vector<1024x1024xf32> to vector<1024xf32>
    %broadcast_in_dim3A_21 = vector.shape_cast %reduce_sum3A_20 : vector<1024xf32> to vector<1024x1xf32>
    %add3A_22 = arith.addf %broadcast_in_dim3A_7, %broadcast_in_dim3A_21 : vector<1024x1xf32>
    %slice3A_23 = vector.extract_strided_slice %get3A_4 {offsets = [0, 1024], sizes = [1, 1024], strides = [1, 1]} : vector<1x8192xf32> to vector<1x1024xf32>
    %iota3A_24 = tpu.iota {dimensions = array<i32: 1>} : vector<1x1024xi32>
    %add3A_25 = arith.constant 1024 : i32
    %add3A_26 = vector.broadcast %add3A_25 : i32 to vector<1x1024xi32>
    %add3A_27 = arith.addi %add3A_26, %iota3A_24 : vector<1x1024xi32>
    %lt3A_28 = vector.broadcast %slice3A_23 : vector<1x1024xf32> to vector<1024x1024xf32>
    %lt3A_29 = vector.broadcast %get3A_1 : vector<1024x1xf32> to vector<1024x1024xf32>
    %lt3A_30 = arith.cmpf olt, %lt3A_28, %lt3A_29 : vector<1024x1024xf32>
    %eq3A_31 = vector.broadcast %slice3A_23 : vector<1x1024xf32> to vector<1024x1024xf32>
    %eq3A_32 = vector.broadcast %get3A_1 : vector<1024x1xf32> to vector<1024x1024xf32>
    %eq3A_33 = arith.cmpf oeq, %eq3A_31, %eq3A_32 : vector<1024x1024xf32>
    %lt3A_34 = vector.broadcast %add3A_27 : vector<1x1024xi32> to vector<1024x1024xi32>
    %lt3A_35 = vector.broadcast %add3A_6 : vector<1024x1xi32> to vector<1024x1024xi32>
    %lt3A_36 = arith.cmpi slt, %lt3A_34, %lt3A_35 : vector<1024x1024xi32>
    %and3A_37 = arith.andi %eq3A_33, %lt3A_36 : vector<1024x1024xi1>
    %or3A_38 = arith.ori %lt3A_30, %and3A_37 : vector<1024x1024xi1>
    %convert_element_type3A_39 = arith.extui %or3A_38 : vector<1024x1024xi1> to vector<1024x1024xi32>
    %convert_element_type3A_40 = arith.sitofp %convert_element_type3A_39 : vector<1024x1024xi32> to vector<1024x1024xf32>
    %reduce_sum3A_41 = arith.constant dense<0.000000e+00> : vector<1024xf32>
    %reduce_sum3A_42 = vector.multi_reduction <add>, %convert_element_type3A_40, %reduce_sum3A_41 [1] : vector<1024x1024xf32> to vector<1024xf32>
    %broadcast_in_dim3A_43 = vector.shape_cast %reduce_sum3A_42 : vector<1024xf32> to vector<1024x1xf32>
    %add3A_44 = arith.addf %add3A_22, %broadcast_in_dim3A_43 : vector<1024x1xf32>
    %slice3A_45 = vector.extract_strided_slice %get3A_4 {offsets = [0, 2048], sizes = [1, 1024], strides = [1, 1]} : vector<1x8192xf32> to vector<1x1024xf32>
    %iota3A_46 = tpu.iota {dimensions = array<i32: 1>} : vector<1x1024xi32>
    %add3A_47 = arith.constant 2048 : i32
    %add3A_48 = vector.broadcast %add3A_47 : i32 to vector<1x1024xi32>
    %add3A_49 = arith.addi %add3A_48, %iota3A_46 : vector<1x1024xi32>
    %lt3A_50 = vector.broadcast %slice3A_45 : vector<1x1024xf32> to vector<1024x1024xf32>
    %lt3A_51 = vector.broadcast %get3A_1 : vector<1024x1xf32> to vector<1024x1024xf32>
    %lt3A_52 = arith.cmpf olt, %lt3A_50, %lt3A_51 : vector<1024x1024xf32>
    %eq3A_53 = vector.broadcast %slice3A_45 : vector<1x1024xf32> to vector<1024x1024xf32>
    %eq3A_54 = vector.broadcast %get3A_1 : vector<1024x1xf32> to vector<1024x1024xf32>
    %eq3A_55 = arith.cmpf oeq, %eq3A_53, %eq3A_54 : vector<1024x1024xf32>
    %lt3A_56 = vector.broadcast %add3A_49 : vector<1x1024xi32> to vector<1024x1024xi32>
    %lt3A_57 = vector.broadcast %add3A_6 : vector<1024x1xi32> to vector<1024x1024xi32>
    %lt3A_58 = arith.cmpi slt, %lt3A_56, %lt3A_57 : vector<1024x1024xi32>
    %and3A_59 = arith.andi %eq3A_55, %lt3A_58 : vector<1024x1024xi1>
    %or3A_60 = arith.ori %lt3A_52, %and3A_59 : vector<1024x1024xi1>
    %convert_element_type3A_61 = arith.extui %or3A_60 : vector<1024x1024xi1> to vector<1024x1024xi32>
    %convert_element_type3A_62 = arith.sitofp %convert_element_type3A_61 : vector<1024x1024xi32> to vector<1024x1024xf32>
    %reduce_sum3A_63 = arith.constant dense<0.000000e+00> : vector<1024xf32>
    %reduce_sum3A_64 = vector.multi_reduction <add>, %convert_element_type3A_62, %reduce_sum3A_63 [1] : vector<1024x1024xf32> to vector<1024xf32>
    %broadcast_in_dim3A_65 = vector.shape_cast %reduce_sum3A_64 : vector<1024xf32> to vector<1024x1xf32>
    %add3A_66 = arith.addf %add3A_44, %broadcast_in_dim3A_65 : vector<1024x1xf32>
    %slice3A_67 = vector.extract_strided_slice %get3A_4 {offsets = [0, 3072], sizes = [1, 1024], strides = [1, 1]} : vector<1x8192xf32> to vector<1x1024xf32>
    %iota3A_68 = tpu.iota {dimensions = array<i32: 1>} : vector<1x1024xi32>
    %add3A_69 = arith.constant 3072 : i32
    %add3A_70 = vector.broadcast %add3A_69 : i32 to vector<1x1024xi32>
    %add3A_71 = arith.addi %add3A_70, %iota3A_68 : vector<1x1024xi32>
    %lt3A_72 = vector.broadcast %slice3A_67 : vector<1x1024xf32> to vector<1024x1024xf32>
    %lt3A_73 = vector.broadcast %get3A_1 : vector<1024x1xf32> to vector<1024x1024xf32>
    %lt3A_74 = arith.cmpf olt, %lt3A_72, %lt3A_73 : vector<1024x1024xf32>
    %eq3A_75 = vector.broadcast %slice3A_67 : vector<1x1024xf32> to vector<1024x1024xf32>
    %eq3A_76 = vector.broadcast %get3A_1 : vector<1024x1xf32> to vector<1024x1024xf32>
    %eq3A_77 = arith.cmpf oeq, %eq3A_75, %eq3A_76 : vector<1024x1024xf32>
    %lt3A_78 = vector.broadcast %add3A_71 : vector<1x1024xi32> to vector<1024x1024xi32>
    %lt3A_79 = vector.broadcast %add3A_6 : vector<1024x1xi32> to vector<1024x1024xi32>
    %lt3A_80 = arith.cmpi slt, %lt3A_78, %lt3A_79 : vector<1024x1024xi32>
    %and3A_81 = arith.andi %eq3A_77, %lt3A_80 : vector<1024x1024xi1>
    %or3A_82 = arith.ori %lt3A_74, %and3A_81 : vector<1024x1024xi1>
    %convert_element_type3A_83 = arith.extui %or3A_82 : vector<1024x1024xi1> to vector<1024x1024xi32>
    %convert_element_type3A_84 = arith.sitofp %convert_element_type3A_83 : vector<1024x1024xi32> to vector<1024x1024xf32>
    %reduce_sum3A_85 = arith.constant dense<0.000000e+00> : vector<1024xf32>
    %reduce_sum3A_86 = vector.multi_reduction <add>, %convert_element_type3A_84, %reduce_sum3A_85 [1] : vector<1024x1024xf32> to vector<1024xf32>
    %broadcast_in_dim3A_87 = vector.shape_cast %reduce_sum3A_86 : vector<1024xf32> to vector<1024x1xf32>
    %add3A_88 = arith.addf %add3A_66, %broadcast_in_dim3A_87 : vector<1024x1xf32>
    %slice3A_89 = vector.extract_strided_slice %get3A_4 {offsets = [0, 4096], sizes = [1, 1024], strides = [1, 1]} : vector<1x8192xf32> to vector<1x1024xf32>
    %iota3A_90 = tpu.iota {dimensions = array<i32: 1>} : vector<1x1024xi32>
    %add3A_91 = arith.constant 4096 : i32
    %add3A_92 = vector.broadcast %add3A_91 : i32 to vector<1x1024xi32>
    %add3A_93 = arith.addi %add3A_92, %iota3A_90 : vector<1x1024xi32>
    %lt3A_94 = vector.broadcast %slice3A_89 : vector<1x1024xf32> to vector<1024x1024xf32>
    %lt3A_95 = vector.broadcast %get3A_1 : vector<1024x1xf32> to vector<1024x1024xf32>
    %lt3A_96 = arith.cmpf olt, %lt3A_94, %lt3A_95 : vector<1024x1024xf32>
    %eq3A_97 = vector.broadcast %slice3A_89 : vector<1x1024xf32> to vector<1024x1024xf32>
    %eq3A_98 = vector.broadcast %get3A_1 : vector<1024x1xf32> to vector<1024x1024xf32>
    %eq3A_99 = arith.cmpf oeq, %eq3A_97, %eq3A_98 : vector<1024x1024xf32>
    %lt3A_100 = vector.broadcast %add3A_93 : vector<1x1024xi32> to vector<1024x1024xi32>
    %lt3A_101 = vector.broadcast %add3A_6 : vector<1024x1xi32> to vector<1024x1024xi32>
    %lt3A_102 = arith.cmpi slt, %lt3A_100, %lt3A_101 : vector<1024x1024xi32>
    %and3A_103 = arith.andi %eq3A_99, %lt3A_102 : vector<1024x1024xi1>
    %or3A_104 = arith.ori %lt3A_96, %and3A_103 : vector<1024x1024xi1>
    %convert_element_type3A_105 = arith.extui %or3A_104 : vector<1024x1024xi1> to vector<1024x1024xi32>
    %convert_element_type3A_106 = arith.sitofp %convert_element_type3A_105 : vector<1024x1024xi32> to vector<1024x1024xf32>
    %reduce_sum3A_107 = arith.constant dense<0.000000e+00> : vector<1024xf32>
    %reduce_sum3A_108 = vector.multi_reduction <add>, %convert_element_type3A_106, %reduce_sum3A_107 [1] : vector<1024x1024xf32> to vector<1024xf32>
    %broadcast_in_dim3A_109 = vector.shape_cast %reduce_sum3A_108 : vector<1024xf32> to vector<1024x1xf32>
    %add3A_110 = arith.addf %add3A_88, %broadcast_in_dim3A_109 : vector<1024x1xf32>
    %slice3A_111 = vector.extract_strided_slice %get3A_4 {offsets = [0, 5120], sizes = [1, 1024], strides = [1, 1]} : vector<1x8192xf32> to vector<1x1024xf32>
    %iota3A_112 = tpu.iota {dimensions = array<i32: 1>} : vector<1x1024xi32>
    %add3A_113 = arith.constant 5120 : i32
    %add3A_114 = vector.broadcast %add3A_113 : i32 to vector<1x1024xi32>
    %add3A_115 = arith.addi %add3A_114, %iota3A_112 : vector<1x1024xi32>
    %lt3A_116 = vector.broadcast %slice3A_111 : vector<1x1024xf32> to vector<1024x1024xf32>
    %lt3A_117 = vector.broadcast %get3A_1 : vector<1024x1xf32> to vector<1024x1024xf32>
    %lt3A_118 = arith.cmpf olt, %lt3A_116, %lt3A_117 : vector<1024x1024xf32>
    %eq3A_119 = vector.broadcast %slice3A_111 : vector<1x1024xf32> to vector<1024x1024xf32>
    %eq3A_120 = vector.broadcast %get3A_1 : vector<1024x1xf32> to vector<1024x1024xf32>
    %eq3A_121 = arith.cmpf oeq, %eq3A_119, %eq3A_120 : vector<1024x1024xf32>
    %lt3A_122 = vector.broadcast %add3A_115 : vector<1x1024xi32> to vector<1024x1024xi32>
    %lt3A_123 = vector.broadcast %add3A_6 : vector<1024x1xi32> to vector<1024x1024xi32>
    %lt3A_124 = arith.cmpi slt, %lt3A_122, %lt3A_123 : vector<1024x1024xi32>
    %and3A_125 = arith.andi %eq3A_121, %lt3A_124 : vector<1024x1024xi1>
    %or3A_126 = arith.ori %lt3A_118, %and3A_125 : vector<1024x1024xi1>
    %convert_element_type3A_127 = arith.extui %or3A_126 : vector<1024x1024xi1> to vector<1024x1024xi32>
    %convert_element_type3A_128 = arith.sitofp %convert_element_type3A_127 : vector<1024x1024xi32> to vector<1024x1024xf32>
    %reduce_sum3A_129 = arith.constant dense<0.000000e+00> : vector<1024xf32>
    %reduce_sum3A_130 = vector.multi_reduction <add>, %convert_element_type3A_128, %reduce_sum3A_129 [1] : vector<1024x1024xf32> to vector<1024xf32>
    %broadcast_in_dim3A_131 = vector.shape_cast %reduce_sum3A_130 : vector<1024xf32> to vector<1024x1xf32>
    %add3A_132 = arith.addf %add3A_110, %broadcast_in_dim3A_131 : vector<1024x1xf32>
    %slice3A_133 = vector.extract_strided_slice %get3A_4 {offsets = [0, 6144], sizes = [1, 1024], strides = [1, 1]} : vector<1x8192xf32> to vector<1x1024xf32>
    %iota3A_134 = tpu.iota {dimensions = array<i32: 1>} : vector<1x1024xi32>
    %add3A_135 = arith.constant 6144 : i32
    %add3A_136 = vector.broadcast %add3A_135 : i32 to vector<1x1024xi32>
    %add3A_137 = arith.addi %add3A_136, %iota3A_134 : vector<1x1024xi32>
    %lt3A_138 = vector.broadcast %slice3A_133 : vector<1x1024xf32> to vector<1024x1024xf32>
    %lt3A_139 = vector.broadcast %get3A_1 : vector<1024x1xf32> to vector<1024x1024xf32>
    %lt3A_140 = arith.cmpf olt, %lt3A_138, %lt3A_139 : vector<1024x1024xf32>
    %eq3A_141 = vector.broadcast %slice3A_133 : vector<1x1024xf32> to vector<1024x1024xf32>
    %eq3A_142 = vector.broadcast %get3A_1 : vector<1024x1xf32> to vector<1024x1024xf32>
    %eq3A_143 = arith.cmpf oeq, %eq3A_141, %eq3A_142 : vector<1024x1024xf32>
    %lt3A_144 = vector.broadcast %add3A_137 : vector<1x1024xi32> to vector<1024x1024xi32>
    %lt3A_145 = vector.broadcast %add3A_6 : vector<1024x1xi32> to vector<1024x1024xi32>
    %lt3A_146 = arith.cmpi slt, %lt3A_144, %lt3A_145 : vector<1024x1024xi32>
    %and3A_147 = arith.andi %eq3A_143, %lt3A_146 : vector<1024x1024xi1>
    %or3A_148 = arith.ori %lt3A_140, %and3A_147 : vector<1024x1024xi1>
    %convert_element_type3A_149 = arith.extui %or3A_148 : vector<1024x1024xi1> to vector<1024x1024xi32>
    %convert_element_type3A_150 = arith.sitofp %convert_element_type3A_149 : vector<1024x1024xi32> to vector<1024x1024xf32>
    %reduce_sum3A_151 = arith.constant dense<0.000000e+00> : vector<1024xf32>
    %reduce_sum3A_152 = vector.multi_reduction <add>, %convert_element_type3A_150, %reduce_sum3A_151 [1] : vector<1024x1024xf32> to vector<1024xf32>
    %broadcast_in_dim3A_153 = vector.shape_cast %reduce_sum3A_152 : vector<1024xf32> to vector<1024x1xf32>
    %add3A_154 = arith.addf %add3A_132, %broadcast_in_dim3A_153 : vector<1024x1xf32>
    %slice3A_155 = vector.extract_strided_slice %get3A_4 {offsets = [0, 7168], sizes = [1, 1024], strides = [1, 1]} : vector<1x8192xf32> to vector<1x1024xf32>
    %iota3A_156 = tpu.iota {dimensions = array<i32: 1>} : vector<1x1024xi32>
    %add3A_157 = arith.constant 7168 : i32
    %add3A_158 = vector.broadcast %add3A_157 : i32 to vector<1x1024xi32>
    %add3A_159 = arith.addi %add3A_158, %iota3A_156 : vector<1x1024xi32>
    %lt3A_160 = vector.broadcast %slice3A_155 : vector<1x1024xf32> to vector<1024x1024xf32>
    %lt3A_161 = vector.broadcast %get3A_1 : vector<1024x1xf32> to vector<1024x1024xf32>
    %lt3A_162 = arith.cmpf olt, %lt3A_160, %lt3A_161 : vector<1024x1024xf32>
    %eq3A_163 = vector.broadcast %slice3A_155 : vector<1x1024xf32> to vector<1024x1024xf32>
    %eq3A_164 = vector.broadcast %get3A_1 : vector<1024x1xf32> to vector<1024x1024xf32>
    %eq3A_165 = arith.cmpf oeq, %eq3A_163, %eq3A_164 : vector<1024x1024xf32>
    %lt3A_166 = vector.broadcast %add3A_159 : vector<1x1024xi32> to vector<1024x1024xi32>
    %lt3A_167 = vector.broadcast %add3A_6 : vector<1024x1xi32> to vector<1024x1024xi32>
    %lt3A_168 = arith.cmpi slt, %lt3A_166, %lt3A_167 : vector<1024x1024xi32>
    %and3A_169 = arith.andi %eq3A_165, %lt3A_168 : vector<1024x1024xi1>
    %or3A_170 = arith.ori %lt3A_162, %and3A_169 : vector<1024x1024xi1>
    %convert_element_type3A_171 = arith.extui %or3A_170 : vector<1024x1024xi1> to vector<1024x1024xi32>
    %convert_element_type3A_172 = arith.sitofp %convert_element_type3A_171 : vector<1024x1024xi32> to vector<1024x1024xf32>
    %reduce_sum3A_173 = arith.constant dense<0.000000e+00> : vector<1024xf32>
    %reduce_sum3A_174 = vector.multi_reduction <add>, %convert_element_type3A_172, %reduce_sum3A_173 [1] : vector<1024x1024xf32> to vector<1024xf32>
    %broadcast_in_dim3A_175 = vector.shape_cast %reduce_sum3A_174 : vector<1024xf32> to vector<1024x1xf32>
    %add3A_176 = arith.addf %add3A_154, %broadcast_in_dim3A_175 : vector<1024x1xf32>
    %get3A_177 = arith.constant 0 : index
    %get3A_178 = arith.constant 0 : index
    %get3A_179 = vector.load %arg3[%get3A_177, %get3A_178] : memref<1024x1xf32, #tpu.memory_space<vmem>>, vector<1024x1xf32>
    %lt3A_180 = arith.cmpf olt, %add3A_176, %get3A_179 : vector<1024x1xf32>
    %convert_element_type3A_181 = arith.extui %lt3A_180 : vector<1024x1xi1> to vector<1024x1xi32>
    %convert_element_type3A_182 = arith.sitofp %convert_element_type3A_181 : vector<1024x1xi32> to vector<1024x1xf32>
    %get3A_183 = arith.constant 0 : index
    %get3A_184 = arith.constant 0 : index
    %get3A_185 = vector.load %arg4[%get3A_183, %get3A_184] : memref<1024x1024xf32, #tpu.memory_space<vmem>>, vector<1024x1024xf32>
    %mul3A_186 = vector.broadcast %convert_element_type3A_182 : vector<1024x1xf32> to vector<1024x1024xf32>
    %mul3A_187 = arith.mulf %get3A_185, %mul3A_186 : vector<1024x1024xf32>
    %swap3A = arith.constant 0 : index
    %swap3A_188 = arith.constant 0 : index
    %swap3A_189 = vector.load %arg5[%swap3A, %swap3A_188] : memref<1024x1024xf32, #tpu.memory_space<vmem>>, vector<1024x1024xf32>
    tpu.vector_store %arg5[%swap3A, %swap3A_188], %mul3A_187 {strides = array<i32>} : memref<1024x1024xf32, #tpu.memory_space<vmem>>, vector<1024x1024xf32>,
    return
  }
  func.func @transform_0(%arg0: i32) -> (i32, i32) {
    %c0_i32 = arith.constant 0 : i32
    %c0_i32_0 = arith.constant 0 : i32
    return %arg0, %c0_i32 : i32, i32
  }
  func.func @transform_1(%arg0: i32) -> (i32, i32) {
    %c0_i32 = arith.constant 0 : i32
    %c0_i32_0 = arith.constant 0 : i32
    %c0_i32_1 = arith.constant 0 : i32
    return %c0_i32, %c0_i32_0 : i32, i32
  }
  func.func @transform_2(%arg0: i32) -> (i32, i32) {
    %c0_i32 = arith.constant 0 : i32
    %c0_i32_0 = arith.constant 0 : i32
    return %arg0, %c0_i32 : i32, i32
  }
  func.func @transform_3(%arg0: i32) -> (i32, i32) {
    %c0_i32 = arith.constant 0 : i32
    %c0_i32_0 = arith.constant 0 : i32
    return %arg0, %c0_i32 : i32, i32
  }
  func.func @transform_4(%arg0: i32) -> (i32, i32) {
    %c0_i32 = arith.constant 0 : i32
    %c0_i32_0 = arith.constant 0 : i32
    return %arg0, %c0_i32 : i32, i32
  }
}

module attributes {stable_mosaic.version = 14 : i64} {
  func.func @_mean_body(%arg0: i32, %arg1: memref<1024x1024xf32, #tpu.memory_space<vmem>>, %arg2: memref<1024x1xf32, #tpu.memory_space<vmem>>) attributes {dimension_semantics = [#tpu.dimension_semantics<arbitrary>], iteration_bounds = array<i64: 8>, scalar_prefetch = 0 : i64, scratch_operands = 0 : i64, tpu.core_type = #tpu.core_type<tc>, window_params = [{transform_indices = @transform_0, window_bounds = array<i64: 1024, 1024>}, {transform_indices = @transform_1, window_bounds = array<i64: 1024, 1>}]} {
    %get3A = arith.constant 0 : index
    %get3A_0 = arith.constant 0 : index
    %get3A_1 = vector.load %arg1[%get3A, %get3A_0] : memref<1024x1024xf32, #tpu.memory_space<vmem>>, vector<1024x1024xf32>
    %reduce_sum3A = arith.constant dense<0.000000e+00> : vector<1024xf32>
    %reduce_sum3A_2 = vector.multi_reduction <add>, %get3A_1, %reduce_sum3A [1] : vector<1024x1024xf32> to vector<1024xf32>
    %broadcast_in_dim3A = vector.shape_cast %reduce_sum3A_2 : vector<1024xf32> to vector<1024x1xf32>
    %div3A = arith.constant 1.024000e+03 : f32
    %div3A_3 = vector.broadcast %div3A : f32 to vector<1024x1xf32>
    %div3A_4 = arith.divf %broadcast_in_dim3A, %div3A_3 : vector<1024x1xf32>
    %swap3A = arith.constant 0 : index
    %swap3A_5 = arith.constant 0 : index
    %swap3A_6 = vector.load %arg2[%swap3A, %swap3A_5] : memref<1024x1xf32, #tpu.memory_space<vmem>>, vector<1024x1xf32>
    tpu.vector_store %arg2[%swap3A, %swap3A_5], %div3A_4 {strides = array<i32>} : memref<1024x1xf32, #tpu.memory_space<vmem>>, vector<1024x1xf32>,
    return
  }
  func.func @transform_0(%arg0: i32) -> (i32, i32) {
    %c0_i32 = arith.constant 0 : i32
    %c0_i32_0 = arith.constant 0 : i32
    return %arg0, %c0_i32 : i32, i32
  }
  func.func @transform_1(%arg0: i32) -> (i32, i32) {
    %c0_i32 = arith.constant 0 : i32
    %c0_i32_0 = arith.constant 0 : i32
    return %arg0, %c0_i32 : i32, i32
  }
}

</mosaic_0001>

<sc_bundles>
// kernel: gather_offload_async_start
scs
__scs_entry_jumppad:
0x0: {  	(pc) =	sbr.rel $0x88, $3  }
0x1: {  	(tag) =	ssettag $0x0;
	lr =	simm.s32 $0x1  }
0x2: {  	[smem:$0x3FA0] =	sst lr;
	_ =	strace $0xD0000000  }
0x3: {  	_ = 	snop  }
0x4: {  	_ = 	snop  }
0x5: {  	_ = 	snop  }
0x6: {  	_ = 	snop  }
0x7: {  	_ = 	snop  }
__scs_overlays_trampoline_lowered:
0x8: {  	[smem:$0x3FAF] =	sst s0  }
0x9: {  	[smem:$0x3FB0] =	sst s1  }
0xa: {  	[smem:$0x3FB1] =	sst s2  }
0xb: {  	[smem:$0x3FB2] =	sst s3  }
0xc: {  	[smem:$0x3FB3] =	sst s4  }
0xd: {  	[smem:$0x3FB4] =	sst s5  }
0xe: {  	[smem:$0x3FB5] =	sst s6  }
0xf: {  	[smem:$0x3FB6] =	sst s7  }
0x10: {  	[smem:$0x3FB7] =	sst s8  }
0x11: {  	[smem:$0x3FB8] =	sst s9;
	s0 =	simm.s32 @!p0 $0x0  }
0x12: {  	s1 =	sld [smem:$0x3F9E];
	s0 =	simm.s32 @p0 $0x1  }
0x13: {  	[smem:$0x3FB9] =	sst s0;
	s0 =	simm.s32 @!p1 $0x0  }
0x14: {  	s2 =	sld [smem:$0x3F9D];
	s0 =	simm.s32 @p1 $0x1  }
0x15: {  	[smem:$0x3FBA] =	sst s0;
	s0 =	simm.s32 @!p2 $0x0  }
0x16: {  	s3 =	sld [smem:$0x3FDB];
	s0 =	simm.s32 @p2 $0x1  }
0x17: {  	s4 =	simm.s32 $0x1BF5;
	[smem:$0x3FBC] =	sst s0  }
0x18: {  	s0 =	sld [smem:$0x3F9F];
	_ =	swait.ge [sflag:s4], $0x0  }
0x19: {  	s7 =	sld [smem:$0x3FA0]  }
0x1a: {  	s8 =	sadd.s32 $0xFFFFE003, lr  }
0x1b: {  	s9 =	sadd.s32 $0xFFFFFEF7, lr;
	s5 =	simm.s32 $0xFFFFFFFF;
	p2 =	slt.u32 s8, $0xFFFFF086  }
0x1c: {  	p1 =	slt.u32 s9, $0xF7A;
	s5 =	simm.s32 @!p2 $0x0  }
0x1d: {  	s5 =	simm.s32 @p1 $0x1;
	p0 =	seq.s32 s7, s2  }
0x1e: {  	s7 =	smul.u32 @!p0 $0xF7A, s2;
	p2 =	seq.s32 @!p0 s5, $0x0  }
0x1f: {  	s9 =	smul.u32 $0xF7A, s1;
	s8 =	simm.s32 @!p0 $0x1BF5;
	p2 =	por !p2, p0  }
0x20: {  	[sflag:s8] =	ssyncset.s32 @!p0 $0xFFFFF086;
	s6 =	sadd.s32 @!p0 s3, s7;
	s7 =	simm.s32 @!p0 $0x108  }
0x21: {  	s3 =	sadd.s32 s3, s9;
	s6 =	sadd.s32 @!p0 $0x88, s6;
	s7 =	simm.s32 @p2 $0x1082  }
0x22: {  	[simem:s7], [sflag:s8] =	dma.local @!p0 [hbm:s6], $0xF7A  }
0x23: {  	s9 =	sor.u32 $0xD0000000, s2;
	s6 =	simm.s32 $0x108;
	_ =	swait.ge @!p0 [sflag:s8], $0x0  }
0x24: {  	s3 =	sadd.s32 $0x88, s3;
	s6 =	simm.s32 @!p1 $0x1082;
	[sflag:s4] =	ssyncset.s32 $0xFFFFF086  }
0x25: {  	[simem:s6], [sflag:s4] =	dma.local [hbm:s3], $0xF7A  }
0x26: {  	[smem:$0x3FA0] =	sst s1;
	(tag) =	ssettag s2;
	_ =	strace s9  }
0x27: {  	s1 =	sld [smem:$0x3FB0]  }
0x28: {  	s2 =	sld [smem:$0x3FB1]  }
0x29: {  	s4 =	sld [smem:$0x3FB3]  }
0x2a: {  	p0 =	seq.s32 s5, $0x0;
	s5 =	sld [smem:$0x3FB4]  }
0x2b: {  	s6 =	sld [smem:$0x3FB5]  }
0x2c: {  	s7 =	sld [smem:$0x3FB6]  }
0x2d: {  	s3 =	simm.s32 $0x108;
	s8 =	sld [smem:$0x3FB7]  }
0x2e: {  	s3 =	simm.s32 @!p0 $0x1082;
	s9 =	sld [smem:$0x3FB8]  }
0x2f: {  	lr =	sadd.s32 s0, s3;
	s0 =	sld [smem:$0x3FAF]  }
0x30: {  	s3 =	sld [smem:$0x3FB2]  }
0x31: {  	[smem:$0x3FBB] =	sst s10  }
0x32: {  	s10 =	sld [smem:$0x3FB9];
	_ =	sdelay $0x3  }
0x33: {  	p0 =	seq.s32 s10, $0x1;
	s10 =	sld [smem:$0x3FBB];
	_ =	sdelay $0x3  }
0x34: {  	[smem:$0x3FBB] =	sst s10  }
0x35: {  	s10 =	sld [smem:$0x3FBA];
	_ =	sdelay $0x3  }
0x36: {  	p1 =	seq.s32 s10, $0x1;
	s10 =	sld [smem:$0x3FBB];
	_ =	sdelay $0x3  }
0x37: {  	[smem:$0x3FBB] =	sst s10  }
0x38: {  	s10 =	sld [smem:$0x3FBC]  }
0x39: {  	_ = 	snop;
	(pc) =	sbr.ind lr, $3  }
0x3a: {  	_ = 	snop  }
0x3b: {  	_ = 	snop  }
0x3c: {  	p2 =	seq.s32 s10, $0x1;
	s10 =	sld [smem:$0x3FBB]  }
0x3d: {  	_ =	shalt  }
0x3e: {  	_ =	shalt  }
0x3f: {  	_ =	shalt  }
0x40: {  	_ =	shalt  }
0x41: {  	_ =	shalt  }
0x42: {  	_ =	shalt  }
0x43: {  	_ =	shalt  }
0x44: {  	_ =	shalt  }
0x45: {  	_ =	shalt  }
0x46: {  	_ =	shalt  }
0x47: {  	_ =	shalt  }
0x48: {  	_ =	shalt  }
0x49: {  	_ =	shalt  }
0x4a: {  	_ =	shalt  }
0x4b: {  	_ =	shalt  }
0x4c: {  	_ =	shalt  }
0x4d: {  	_ =	shalt  }
0x4e: {  	_ =	shalt  }
0x4f: {  	_ =	shalt  }
0x50: {  	_ =	shalt  }
0x51: {  	_ =	shalt  }
0x52: {  	_ =	shalt  }
0x53: {  	_ =	shalt  }
0x54: {  	_ =	shalt  }
0x55: {  	_ =	shalt  }
0x56: {  	_ =	shalt  }
0x57: {  	_ =	shalt  }
0x58: {  	_ =	shalt  }
0x59: {  	_ =	shalt  }
0x5a: {  	_ =	shalt  }
0x5b: {  	_ =	shalt  }
0x5c: {  	_ =	shalt  }
0x5d: {  	_ =	shalt  }
0x5e: {  	_ =	shalt  }
0x5f: {  	_ =	shalt  }
0x60: {  	_ =	shalt  }
0x61: {  	_ =	shalt  }
0x62: {  	_ =	shalt  }
0x63: {  	_ =	shalt  }
0x64: {  	_ =	shalt  }
0x65: {  	_ =	shalt  }
0x66: {  	_ =	shalt  }
0x67: {  	_ =	shalt  }
0x68: {  	_ =	shalt  }
0x69: {  	_ =	shalt  }
0x6a: {  	_ =	shalt  }
0x6b: {  	_ =	shalt  }
0x6c: {  	_ =	shalt  }
0x6d: {  	_ =	shalt  }
0x6e: {  	_ =	shalt  }
0x6f: {  	_ =	shalt  }
0x70: {  	_ =	shalt  }
0x71: {  	_ =	shalt  }
0x72: {  	_ =	shalt  }
0x73: {  	_ =	shalt  }
0x74: {  	_ =	shalt  }
0x75: {  	_ =	shalt  }
0x76: {  	_ =	shalt  }
0x77: {  	_ =	shalt  }
0x78: {  	_ =	shalt  }
0x79: {  	_ =	shalt  }
0x7a: {  	_ =	shalt  }
0x7b: {  	_ =	shalt  }
0x7c: {  	_ =	shalt  }
0x7d: {  	_ =	shalt  }
0x7e: {  	_ =	shalt  }
0x7f: {  	_ =	shalt  }
0x80: {  	_ =	shalt  }
0x81: {  	_ =	shalt  }
0x82: {  	_ =	shalt  }
0x83: {  	_ =	shalt  }
0x84: {  	_ =	shalt  }
0x85: {  	_ =	shalt  }
0x86: {  	_ =	shalt  }
0x87: {  	_ =	shalt  }
.Lfunc_end0:
.L_simem_size_0:
called_computation_lowered:
.L_overlay_start_0:
0x88: {  	s2 =	sld [smem:$0x3FD9]  }
0x89: {  	s3 =	sld [smem:$0x3FFE];
	_ =	sdelay $0x1  }
0x8a: {  	s1 =	srdreg.scid  }
0x8b: {  	s0 =	sand.u32 $0x1, s1  }
0x8c: {  	s17 =	sshll.u32 s0, $0xA;
	s2 =	sadd.s32 s3, s2  }
0x8d: {  	s2 =	sadd.s32 s2, s17  }
0x8e: {  	[smem:$0x3FC7] =	sst s2  }
0x8f: {  	_ = 	snop  }
0x90: {  	s2 =	sld [smem:$0x3FD0];
	(tm) =	ssettm $0x1  }
0x91: {  	s18 =	sld [smem:$0x3FFB];
	_ =	sdelay $0x3  }
0x92: {  	_ =	strace s18  }
0x93: {  	s3 =	sld [smem:$0x3FFC];
	_ =	sdelay $0x3  }
0x94: {  	_ =	strace s3  }
0x95: {  	s3 =	sld [smem:$0x3FFD];
	_ =	sdelay $0x3  }
0x96: {  	_ =	strace s3  }
0x97: {  	_ =	strace $0x8FFFFFFF  }
0x98: {  	s19 =	sld [smem:$0x3FDB];
	_ =	sdelay $0x1  }
0x99: {  	s4 =	simm.s32 $_scs_section_size  }
0x9a: {  	s5 =	simm.s32 $_size__tile_overlayer_lowered;
	s6 =	simm.s32 $_tile_overlayer_lowered  }
0x9b: {  	s22 =	simm.s32 $0x1BFF;
	s21 =	sshll.u32 s6, $0x1;
	s3 =	sadd.s32 s4, s19  }
0x9c: {  	s7 =	simm.s32 $0x0;
	s20 =	sshll.u32 s5, $0x1;
	s5 =	sadd.s32 s21, s3  }
0x9d: {  	[timem:s7], [sflag:s22] =	dma.local [hbm:s5], s20  }
0x9e: {  	_ =	swait.ge [sflag:s22], s20  }
0x9f: {  	s4 =	ssub.s32 $0x0, s20;
	[sflag:s22] =	ssyncset.done $0x0  }
0xa0: {  	[sflag:s22] =	ssyncadd.s32 s4;
	_ =	sdelay $0x1  }
0xa1: {  	s23 =	simm.s32 $0x1B8B  }
0xa2: {  	_ =	swait.ge [sflag:s23], $0x1  }
0xa3: {  	[sflag:s23] =	ssyncset.done $0x0  }
0xa4: {  	s25 =	simm.s32 $0x1B8E;
	s24 =	sld [smem:$0x3FFE];
	[sflag:s23] =	ssyncadd.s32 $0xFFFFFFFF  }
0xa5: {  	s26 =	simm.s32 $execute0_lowered;
	[smem:$0x3FD2] =	sst s25  }
0xa6: {  	s5 =	sshll.u32 s26, $0x1;
	_ =	strace $0x80000046;
	[dreg:$0x1] =	wrdreg $0xFFFFFFFF  }
0xa7: {  	s28 =	simm.s32 $_size_execute0_lowered;
	s3 =	sadd.s32 s3, s5;
	[dreg:$0x0] =	wrdreg $0x0  }
0xa8: {  	s5 =	sshll.u32 s28, $0x1;
	[dreg:$0x2] =	wrdreg s3  }
0xa9: {  	[dreg:$0x3] =	wrdreg s5  }
0xaa: {  	[dreg:$0x4] =	wrdreg $0xC0  }
0xab: {  	_ =	task [dreg:s7], $0x5FFFF  }
0xac: {  	[dreg:$0x1] =	wrdreg $0xFFFFFFFF  }
0xad: {  	[dreg:$0x0] =	wrdreg $0x60  }
0xae: {  	[dreg:$0x2] =	wrdreg s2  }
0xaf: {  	[dreg:$0x3] =	wrdreg s24  }
0xb0: {  	[dreg:$0x4] =	wrdreg $0x9  }
0xb1: {  	_ =	task.clear_ibuf [dreg:s7], $0x5FFFF;
	_ =	strace $0x90000046  }
0xb2: {  	s29 =	simm.s32 $0x9;
	_ =	strace $0x80000048  }
0xb3: {  	_ =	swait.ge [sflag:s29], $0x1  }
0xb4: {  	[sflag:s29] =	ssyncadd.s32 $0xFFFFFFFF  }
0xb5: {  	_ =	strace $0x90000048  }
0xb6: {  	_ =	sfence  }
0xb7: {  	s30 =	sld [smem:$0x0];
	_ =	sdelay $0x2  }
0xb8: {  	s31 =	sshll.u32 s1, $0xD;
	s1 =	sshrl.u32 s1, $0x2  }
0xb9: {  	s3 =	sand.u32 $0x4000, s31;
	s1 =	sadd.s32 s1, s30  }
0xba: {  	s0 =	sor.u32 s3, s0;
	s1 =	sshll.u32 s1, $0x11  }
0xbb: {  	s0 =	sor.u32 s1, s0  }
0xbc: {  	s0 =	sadd.s32 $0x8F2B, s0  }
0xbd: {  	[sflag:s0] =	ssyncadd.remote.s32 $0x1  }
0xbe: {  	_ =	sfence.sel $0xFFFF  }
0xbf: {  	[dreg:$0x0] =	wrdreg $0xFFFFFFFF;
	(pc) =	sbr.abs _section_cstart, $3  }
0xc0: {  	[dreg:$0x1] =	wrdreg $0xFFFFFFFF  }
0xc1: {  	_ =	task.clear_ibuf [dreg:s7], $0x2FFFF;
	_ =	strace $0x9FFFFFFF  }
0xc2: {  	(tm) =	ssettm $0x7FFFFFFF  }
0xc3: {  	_ =	shalt  }
tec
execute0_lowered:
.L_overlay_start_1:
0x0: {  	(tag) =	ssettag $0x1  }
0x1: {  	s1 =	srdreg.scid;
	s2 =	rddreg [dreg:$0x0]  }
0x2: {  	s0 =	stileid.u32;
	s5 =	rddreg [dreg:$0x1];
	s6 =	simm.s32 $0x1  }
0x3: {  	s9 =	simm.s32 $0x1;
	s10 =	simm.s32 $0x3;
	s1 =	sshll.u32 s1, $0x7  }
0x4: {  	s13 =	simm.s32 $0x0;
	s3 =	sshll.u32 s0, $0x8;
	s4 =	sand.u32 $0x80, s1  }
0x5: {  	s12 =	simm.s32 $0x0;
	s1 =	rddreg [dreg:$0x2];
	s3 =	sor.u32 s3, s4  }
0x6: {  	_ =	strace $0x80000047;
	s4 =	sadd.s32 $0xE00, s5;
	s8 =	ssub.s32 $0x2000, s3  }
.Ltmp0:
0x7: {  	s5 =	sadd.s32 $0x1200, s5;
	s7 =	sand.u32 $0xF80, s8;
	(pc) =	sbr.rel .LBB2_1-.Ltmp0, $4  }
0x8: {  	[sflag:s6] =	ssyncpa.u1 $0x0;
	s11 =	smov.u32 s3;
	p0 =	sne.s32 s7, $0x0  }
0x9: {  	s8 =	sshrl.u32 s8, $0xC;
	s7 =	simm.s32 $0x2;
	s9 =	simm.s32 @!p0 $0x0  }
0xa: {  	[sflag:s7] =	ssyncpa.u1 $0x0;
	p0 =	por $0x0, $0x0;
	s8 =	sadd.s32 s9, s8  }
0xb: {  	vm0 =	vmmov $0xffff;
	[sflag:s10] =	ssyncpa.u1 $0x0;
	s10 =	simm.s32 $0x0;
	s9 =	sadd.s32 $0x1, s8  }
.LBB2_4:
0xc: {  	v2 =	vnsel vm1, $0x0, v2  }
0xd: {  	vm1 =	vgt.s32 v0, $0x0;
	v2 =	vmin.u32 v2, $0x1FFF  }
0xe: {  	v0 =	vnsel vm1, $0x0, v0  }
0xf: {  	v0 =	vmin.u32 v0, $0x1FFF  }
0x10: {  	[tilespmem:s15], [sflag:$0x1] =	stream.indirect_vreg.gather [hbm4b:s2+s10], $0x1, v1, vm0, $0x4038;
	[tilespmem:$0x200] =	vst v63  }
0x11: {  	(ifvalue) =	ssetifvalue $0x7FFFFFFF  }
0x12: {  	[tilespmem:s16], [sflag:$0x1] =	stream.indirect_vreg.gather [hbm4b:s2+s10], $0x1, v2, vm0, $0x4038;
	[tilespmem:$0x200] =	vst v63  }
0x13: {  	s29 =	sadd.s32 $0x10, s16;
	(ifvalue) =	ssetifvalue $0x7FFFFFFF  }
0x14: {  	[tilespmem:s29], [sflag:$0x1] =	stream.indirect_vreg.gather [hbm4b:s2+s10], $0x1, v0, vm0, $0x4038;
	[tilespmem:$0x200] =	vst v63  }
0x15: {  	_ =	swait.ge [sflag:s6], $0x80  }
0x16: {  	s30 =	sshrl.u32 s13, $0x3;
	[sflag:s6] =	ssyncset.done $0x0  }
0x17: {  	s31 =	sand.u32 $0x7, s13;
	s15 =	sadd.s32 s5, s30;
	[sflag:s6] =	ssyncadd.s32 $0xFFFFFF80  }
0x18: {  	[hbm4b:s15+s31] =	stream.linear.scatter [tilespmem:s14], [sflag:$0x3], $0x80, $0x38;
	[tilespmem:$0x200] =	vst v63  }
.LBB2_5:
0x19: {  	s15 =	sadd.s32 $0x1000, s11  }
0x1a: {  	p2 =	sgt.s32 s15, $0x1FFF  }
0x1b: {  	s15 =	smov.u32 @p2 s3;
	p2 =	sne.s32 s12, s9  }
.Ltmp1:
0x1c: {  	p1 =	slt.u32 s12, $0x2;
	(pc) =	sbr.rel @!p2 .LBB2_6-.Ltmp1, $4  }
0x1d: {  	s14 =	simm.s32 @!p1 $0x3  }
0x1e: {  	s16 =	sadd.s32 $0x1, s12;
	_ =	swait.ge @!p1 [sflag:s14], $0x80  }
0x1f: {  	s13 =	smov.u32 s11;
	p0 =	por !p0, !p0;
	[sflag:s14] =	ssyncset.done @!p1 $0x0  }
0x20: {  	s12 =	smov.u32 s16;
	s11 =	smov.u32 s15;
	[sflag:s14] =	ssyncadd.s32 @!p1 $0xFFFFFF80  }
.LBB2_1:
0x21: {  	p1 =	sge.u32 s12, s8  }
0x22: {  	s14 =	sxor.u32 @!p1 $0xFFFFFFFF, s12  }
0x23: {  	s31 =	sadd.s32 $0xFFFFFFFF, s12;
	s15 =	sshrl.u32 @!p1 s11, $0x3;
	s14 =	sshll.u32 @!p1 s14, $0x7  }
0x24: {  	s16 =	sand.u32 @!p1 $0x7, s11;
	s15 =	sadd.s32 @!p1 s4, s15;
	s14 =	sand.u32 @!p1 $0x80, s14  }
0x25: {  	[tilespmem:s14], [sflag:$0x2] =	stream.linear.gather @!p1 [hbm4b:s15+s16], $0x80, $0x38;
	[tilespmem:$0x200] =	vst v63  }
0x26: {  	p1 =	sge.u32 s31, s8  }
.Ltmp2:
0x27: {  	_ = 	snop;
	(pc) =	sbr.rel @p1 .LBB2_5-.Ltmp2, $1  }
0x28: {  	_ =	sdelay $0x3  }
0x29: {  	s14 =	simm.s32 $0x1  }
0x2a: {  	_ =	swait.ge [sflag:s7], $0x80;
	s14 =	simm.s32 @!p0 $0x0  }
0x2b: {  	[sflag:s7] =	ssyncset.done $0x0;
	s14 =	sshll.u32 s14, $0x7  }
0x2c: {  	[sflag:s7] =	ssyncadd.s32 $0xFFFFFF80;
	(ifvalue) =	ssetifvalue $0x7FFFFFFF;
	v0 =	vld.msk [tilespmem:s14+$0x0 ss:$0x1], $0xffff;
	_ =	sdelay $0x4  }
0x2d: {  	s15 =	sadd.s32 $0x10, s14;
	vm1 =	vgt.s32 v0, $0x0  }
0x2e: {  	v2 =	vld.msk [tilespmem:s15+$0x0 ss:$0x1], $0xffff;
	v1 =	vnsel vm1, $0x0, v0  }
0x2f: {  	v1 =	vmin.u32 v1, $0x1FFF;
	_ =	sdelay $0x1  }
0x30: {  	s16 =	sshll.u32 s12, $0x7;
	s18 =	simm.s32 $0x20  }
0x31: {  	s16 =	sand.u32 $0x80, s16;
	s17 =	sadd.s32 $0x10, s15;
	s15 =	sor.u32 $0x100, s14  }
0x32: {  	s14 =	sor.u32 $0x100, s16;
	s16 =	sadd.s32 $0x10, s15;
	v0 =	vld.msk [tilespmem:s17+$0x0 ss:$0x1], $0xffff;
	vm1 =	vgt.s32 v2, $0x0;
	(ifvalue) =	ssetifvalue $0x7FFFFFFF  }
.LBB2_3:
0x33: {  	[tilespmem:s15], [sflag:$0x1] =	stream.indirect_vreg.gather [hbm4b:s2+s10], $0x1, v1, vm0, $0x4038;
	[tilespmem:$0x200] =	vst v63  }
0x34: {  	s18 =	sadd.s32 $0x10, s18  }
0x35: {  	v2 =	vnsel vm1, $0x0, v2;
	p1 =	slt.u32 s18, $0x70  }
.Ltmp3:
0x36: {  	s15 =	smov.u32 s16;
	v1 =	vmin.u32 v2, $0x1FFF;
	(pc) =	sbr.rel @p1 .LBB2_3-.Ltmp3, $3  }
0x37: {  	_ =	sdelay $0x1  }
0x38: {  	s17 =	sadd.s32 $0x10, s17  }
0x39: {  	vm1 =	vgt.s32 v0, $0x0;
	s16 =	sadd.s32 $0x10, s16;
	v2 =	vmov v0;
	(ifvalue) =	ssetifvalue $0x7FFFFFFF;
	v0 =	vld.msk [tilespmem:s17+$0x0 ss:$0x1], $0xffff  }
.Ltmp4:
0x3a: {  	_ = 	snop;
	(pc) =	sbr.rel .LBB2_4-.Ltmp4, $1  }
0x3b: {  	_ =	sdelay $0x3  }
.LBB2_6:
0x3c: {  	_ =	sfence.sel $0x180000  }
0x3d: {  	s2 =	simm.s32 $0x2;
	[bflag:$0x0] =	sbarrier.arrive $0xFFFF  }
0x3e: {  	s30 =	simm.s32 $0x3;
	[sflag:s2] =	ssyncpa.u1 $0x1  }
0x3f: {  	s31 =	simm.s32 $0x1;
	[sflag:s30] =	ssyncpa.u1 $0x1  }
0x40: {  	[sflag:s31] =	ssyncpa.u1 $0x1  }
0x41: {  	p0 =	sne.s32 s0, $0x0;
	_ =	strace $0x90000047  }
0x42: {  	s0 =	sadd.s32 @!p0 $0x100000, s1;
	[bflag:$0x2] =	sbarrier.arrive $0xFFFF  }
0x43: {  	[sflag:s0] =	ssyncadd.tile.s32 @!p0 $0x1;
	_ =	shalt  }
.Lfunc_end2:
_tile_overlayer_lowered:
.L_overlay_start_2:
0x44: {  	(tag) =	ssettag $0x2  }
0x45: {  	s0 =	rddreg [dreg:$0x0];
	s2 =	stileid.u32  }
0x46: {  	s1 =	rddreg [dreg:$0x1];
	p0 =	sne.s32 s2, $0x0  }
0x47: {  	s3 =	rddreg [dreg:$0x2];
	[bflag:$0x3] =	sbarrier.arrive $0xFFFF;
	s2 =	simm.s32 @!p0 $0x1C01  }
0x48: {  	[timem:s3], [sflag:s2] =	dma.local @!p0 [hbm:s0], s1  }
0x49: {  	s0 =	simm.s32 @!p0 $0x1  }
0x4a: {  	_ =	swait.ge @!p0 [sflag:s0], s1  }
0x4b: {  	s1 =	ssub.s32 @!p0 $0x0, s1;
	[sflag:s0] =	ssyncset.done @!p0 $0x0  }
0x4c: {  	[sflag:s0] =	ssyncadd.s32 @!p0 s1  }
0x4d: {  	[bflag:$0x3] =	sbarrier.arrive $0xFFFF  }
0x4e: {  	_ =	shalt  }

</sc_bundles>
